<compile_context>
chip_gen: v7x
topology: tpu7x:2x2x1
jax: 0.10.2.dev20260603
libtpu: 0.0.44.dev20260713+nightly
codegen_flags: <defaults>
</compile_context>

<pallas_src>
import functools

import jax
import jax.numpy as jnp
from jax import lax
from jax.experimental import pallas as pl
from jax.experimental.pallas import tpu as pltpu
from jax.experimental.pallas import tpu_sc as plsc

NUM_TOKENS_ = 8192
D_ = 768
BATCH_ = 4
SEQ_ = 8192

_INFO = plsc.get_sparse_core_info()
NC_ = _INFO.num_cores
NS_ = _INFO.num_subcores
NL_ = _INFO.num_lanes
NW_ = NC_ * NS_
ROWS_W_ = SEQ_ // NW_
CH_ = 32
NCH_ = ROWS_W_ // CH_
KV_ = D_ // NL_
UNROLL_ = 4


@functools.partial(
    pl.kernel,
    mesh=plsc.VectorSubcoreMesh(core_axis_name="c", subcore_axis_name="s"),
    out_type=jax.ShapeDtypeStruct((BATCH_, SEQ_, D_), jnp.float32),
    scratch_types=[
        pltpu.VMEM((CH_,), jnp.int32),
        pltpu.VMEM((CH_, D_), jnp.float32),
        pltpu.VMEM((CH_, D_), jnp.float32),
        pltpu.SemaphoreType.DMA,
    ],
)
def _sc_add(x_hbm, pos_hbm, emb_hbm, out_hbm, idx_v, ebuf, xbuf, sem):
    wid = lax.axis_index("s") * NC_ + lax.axis_index("c")
    base = wid * ROWS_W_

    def chunk_body(c, carry):
        start = base + c * CH_
        pltpu.sync_copy(pos_hbm.at[pl.ds(start, CH_)], idx_v)
        pltpu.async_copy(emb_hbm.at[idx_v], ebuf, sem).wait()

        def batch_body(b, carry2):
            pltpu.sync_copy(x_hbm.at[b, pl.ds(start, CH_), :], xbuf)

            def row_body(r, carry3):
                def k_body(k4, carry4):
                    for u in range(UNROLL_):
                        sl = pl.ds((k4 * UNROLL_ + u) * NL_, NL_)
                        xbuf[r, sl] = xbuf[r, sl] + ebuf[r, sl]
                    return carry4

                return lax.fori_loop(0, KV_ // UNROLL_, k_body, carry3)

            lax.fori_loop(0, CH_, row_body, 0)
            pltpu.sync_copy(xbuf, out_hbm.at[b, pl.ds(start, CH_), :])
            return carry2

        return lax.fori_loop(0, BATCH_, batch_body, carry)

    lax.fori_loop(0, NCH_, chunk_body, 0)


def kernel(x, positions, emb):
    pos = positions.astype(jnp.int32)
    return _sc_add(x, pos, emb)

# --- scband reference (transcript-rebuilt; emitter-appended) ---
"""Pipeline reference for scband-learned-positional-encoding-12094627905930 (READ-ONLY COPY).

The authoritative reference and input builder live on the scoring server;
editing this copy changes nothing except your own understanding.
"""

import jax, jax.numpy as jnp
import numpy as np

NUM_TOKENS = 8192
D_MODEL = 768
BATCH = 4
SEQ = 8192

def setup_inputs(seed: int = 0) -> dict:
    key = jax.random.key(seed)
    k_x, k_emb = jax.random.split(key)
    x = jax.random.normal(k_x, (BATCH, SEQ, D_MODEL), dtype=jnp.float32)
    positions = jnp.arange(SEQ, dtype=jnp.int64)
    emb = jax.random.normal(k_emb, (NUM_TOKENS, D_MODEL), dtype=jnp.float32) * 0.02
    return {"x": x, "positions": positions, "emb": emb}

def reference(x, positions, emb):
    # positions.int() in torch -> cast to int32
    pos = positions.astype(jnp.int32)
    # nn.Embedding lookup -> gather rows of the table
    pe = jnp.take(emb, pos, axis=0)  # [SEQ, D_MODEL]
    out = x + pe  # broadcast over batch
    # dropout is identity in eval mode
    return out

if __name__ == "__main__":
    import jax
    _d = setup_inputs()
    print(jax.jit(kernel)(*tuple(_d.values())))

</pallas_src>

<mosaic_0001>
#map = affine_map<(d0, d1) -> (0, 0, 0)>
#map1 = affine_map<(d0, d1) -> (0)>
#map2 = affine_map<(d0, d1) -> (0, 0)>
module attributes {stable_mosaic.version = 14 : i64} {
  func.func @_sc_add(%arg0: i32, %arg1: i32, %arg2: memref<4x8192x768xf32, #tpu.memory_space<hbm>>, %arg3: memref<8192xi32, #tpu.memory_space<hbm>>, %arg4: memref<8192x768xf32, #tpu.memory_space<hbm>>, %arg5: memref<4x8192x768xf32, #tpu.memory_space<hbm>>, %arg6: memref<32xi32, #tpu.memory_space<vmem>>, %arg7: memref<32x768xf32, #tpu.memory_space<vmem>>, %arg8: memref<32x768xf32, #tpu.memory_space<vmem>>, %arg9: memref<!tpu.dma_semaphore, #tpu.memory_space<semaphore_mem>>) attributes {dimension_semantics = [#tpu.dimension_semantics<core_parallel>, #tpu.dimension_semantics<subcore_parallel>], iteration_bounds = array<i64: 2, 16>, scalar_prefetch = 0 : i64, scratch_operands = 4 : i64, tpu.core_type = #tpu.core_type<sc_vector_subcore>, window_params = [{transform_indices = #map}, {transform_indices = #map1}, {transform_indices = #map2}, {transform_indices = #map}]} {
    %mul3A = arith.constant 2 : i32
    %mul3A_0 = arith.muli %arg1, %mul3A : i32
    %add3A = arith.addi %mul3A_0, %arg0 : i32
    %mul3A_1 = arith.constant 256 : i32
    %mul3A_2 = arith.muli %add3A, %mul3A_1 : i32
    %scan3A = arith.constant 0 : i32
    %scan3A_3 = arith.constant 0 : i32
    %scan3A_4 = arith.constant 8 : i32
    %scan3A_5 = arith.addi %scan3A_3, %scan3A_4 : i32
    %scan3A_6 = arith.constant 1 : i32
    scf.for %scan3A_8 = %scan3A_3 to %scan3A_5 step %scan3A_6  : i32 {
      %mul3A_9 = arith.constant 32 : i32
      %mul3A_10 = arith.muli %scan3A_8, %mul3A_9 : i32
      %add3A_11 = arith.addi %mul3A_2, %mul3A_10 : i32
      "tpu.region"() ({
        %run_scoped3A = tpu.sem_alloc : memref<!tpu.dma_semaphore, #tpu.memory_space<semaphore_mem>>
        %dma_start3A_21 = tpu.memref_slice %arg3[%add3A_11] : memref<8192xi32, #tpu.memory_space<hbm>> -> memref<32xi32, #tpu.memory_space<hbm>>
        %dma_start3A_22 = tpu.memref_slice %arg3[%add3A_11] : memref<8192xi32, #tpu.memory_space<hbm>> -> memref<32xi32, #tpu.memory_space<hbm>>
        tpu.enqueue_dma source(%dma_start3A_22 : memref<32xi32, #tpu.memory_space<hbm>>) target(%arg6 : memref<32xi32, #tpu.memory_space<vmem>>) target_semaphore(%run_scoped3A : memref<!tpu.dma_semaphore, #tpu.memory_space<semaphore_mem>>)
        %dma_wait3A_23 = tpu.memref_slice %arg3[%add3A_11] : memref<8192xi32, #tpu.memory_space<hbm>> -> memref<32xi32, #tpu.memory_space<hbm>>
        %dma_wait3A_24 = tpu.memref_slice %arg3[%add3A_11] : memref<8192xi32, #tpu.memory_space<hbm>> -> memref<32xi32, #tpu.memory_space<hbm>>
        tpu.wait_dma2 semaphore(%run_scoped3A : memref<!tpu.dma_semaphore, #tpu.memory_space<semaphore_mem>>) src(%dma_wait3A_24 : memref<32xi32, #tpu.memory_space<hbm>>) dst(%arg6 : memref<32xi32, #tpu.memory_space<vmem>>)
        tpu.yield
      }) : () -> ()
      %dma_start3A = arith.constant 0 : i32
      %dma_start3A_12 = arith.constant 0 : i32
      %dma_start3A_13 = tpu.memref_slice %arg4[%dma_start3A, %dma_start3A_12] : memref<8192x768xf32, #tpu.memory_space<hbm>> -> memref<8192x768xf32, #tpu.memory_space<hbm>>
      tpu.enqueue_indirect_dma source(%dma_start3A_13 : memref<8192x768xf32, #tpu.memory_space<hbm>>) target(%arg7 : memref<32x768xf32, #tpu.memory_space<vmem>>) offsets(%arg6 : memref<32xi32, #tpu.memory_space<vmem>>) semaphore(%arg9 : memref<!tpu.dma_semaphore, #tpu.memory_space<semaphore_mem>>)
      %dma_wait3A = arith.constant 0 : i32
      %dma_wait3A_14 = arith.constant 0 : i32
      %dma_wait3A_15 = tpu.memref_slice %arg4[%dma_wait3A, %dma_wait3A_14] : memref<8192x768xf32, #tpu.memory_space<hbm>> -> memref<8192x768xf32, #tpu.memory_space<hbm>>
      tpu.wait_indirect_dma semaphore(%arg9 : memref<!tpu.dma_semaphore, #tpu.memory_space<semaphore_mem>>) src(%dma_wait3A_15 : memref<8192x768xf32, #tpu.memory_space<hbm>>) dst(%arg7 : memref<32x768xf32, #tpu.memory_space<vmem>>)
      %scan3A_16 = arith.constant 0 : i32
      %scan3A_17 = arith.constant 4 : i32
      %scan3A_18 = arith.addi %scan3A_16, %scan3A_17 : i32
      %scan3A_19 = arith.constant 1 : i32
      scf.for %scan3A_21 = %scan3A_16 to %scan3A_18 step %scan3A_19  : i32 {
        "tpu.region"() ({
          %run_scoped3A = tpu.sem_alloc : memref<!tpu.dma_semaphore, #tpu.memory_space<semaphore_mem>>
          %dma_start3A_28 = arith.constant 0 : i32
          %dma_start3A_29 = tpu.memref_slice %arg2[%scan3A_21, %add3A_11, %dma_start3A_28] : memref<4x8192x768xf32, #tpu.memory_space<hbm>> -> memref<1x32x768xf32, #tpu.memory_space<hbm>>
          %dma_start3A_30 = tpu.memref_squeeze %dma_start3A_29 : memref<1x32x768xf32, #tpu.memory_space<hbm>> -> memref<32x768xf32, #tpu.memory_space<hbm>>
          %dma_start3A_31 = arith.constant 0 : i32
          %dma_start3A_32 = tpu.memref_slice %arg2[%scan3A_21, %add3A_11, %dma_start3A_31] : memref<4x8192x768xf32, #tpu.memory_space<hbm>> -> memref<1x32x768xf32, #tpu.memory_space<hbm>>
          %dma_start3A_33 = tpu.memref_squeeze %dma_start3A_32 : memref<1x32x768xf32, #tpu.memory_space<hbm>> -> memref<32x768xf32, #tpu.memory_space<hbm>>
          tpu.enqueue_dma source(%dma_start3A_33 : memref<32x768xf32, #tpu.memory_space<hbm>>) target(%arg8 : memref<32x768xf32, #tpu.memory_space<vmem>>) target_semaphore(%run_scoped3A : memref<!tpu.dma_semaphore, #tpu.memory_space<semaphore_mem>>)
          %dma_wait3A_34 = arith.constant 0 : i32
          %dma_wait3A_35 = tpu.memref_slice %arg2[%scan3A_21, %add3A_11, %dma_wait3A_34] : memref<4x8192x768xf32, #tpu.memory_space<hbm>> -> memref<1x32x768xf32, #tpu.memory_space<hbm>>
          %dma_wait3A_36 = tpu.memref_squeeze %dma_wait3A_35 : memref<1x32x768xf32, #tpu.memory_space<hbm>> -> memref<32x768xf32, #tpu.memory_space<hbm>>
          %dma_wait3A_37 = arith.constant 0 : i32
          %dma_wait3A_38 = tpu.memref_slice %arg2[%scan3A_21, %add3A_11, %dma_wait3A_37] : memref<4x8192x768xf32, #tpu.memory_space<hbm>> -> memref<1x32x768xf32, #tpu.memory_space<hbm>>
          %dma_wait3A_39 = tpu.memref_squeeze %dma_wait3A_38 : memref<1x32x768xf32, #tpu.memory_space<hbm>> -> memref<32x768xf32, #tpu.memory_space<hbm>>
          tpu.wait_dma2 semaphore(%run_scoped3A : memref<!tpu.dma_semaphore, #tpu.memory_space<semaphore_mem>>) src(%dma_wait3A_39 : memref<32x768xf32, #tpu.memory_space<hbm>>) dst(%arg8 : memref<32x768xf32, #tpu.memory_space<vmem>>)
          tpu.yield
        }) : () -> ()
        %scan3A_22 = arith.constant 0 : i32
        %scan3A_23 = arith.constant 0 : i32
        %scan3A_24 = arith.constant 32 : i32
        %scan3A_25 = arith.addi %scan3A_23, %scan3A_24 : i32
        %scan3A_26 = arith.constant 1 : i32
        scf.for %scan3A_28 = %scan3A_23 to %scan3A_25 step %scan3A_26  : i32 {
          %scan3A_29 = arith.constant 0 : i32
          %scan3A_30 = arith.constant 12 : i32
          %scan3A_31 = arith.addi %scan3A_29, %scan3A_30 : i32
          %scan3A_32 = arith.constant 1 : i32
          scf.for %scan3A_34 = %scan3A_29 to %scan3A_31 step %scan3A_32  : i32 {
            %mul3A_35 = arith.constant 4 : i32
            %mul3A_36 = arith.muli %scan3A_34, %mul3A_35 : i32
            %add3A_37 = arith.constant 0 : i32
            %add3A_38 = arith.addi %mul3A_36, %add3A_37 : i32
            %mul3A_39 = arith.constant 16 : i32
            %mul3A_40 = arith.muli %add3A_38, %mul3A_39 : i32
            %get3A = arith.index_cast %scan3A_28 : i32 to index
            %get3A_41 = arith.index_cast %mul3A_40 : i32 to index
            %get3A_42 = tpu.vector_load %arg8[%get3A, %get3A_41] {strides = array<i32>} : memref<32x768xf32, #tpu.memory_space<vmem>>, vector<1x16xf32>,
            %get3A_43 = vector.shape_cast %get3A_42 : vector<1x16xf32> to vector<16xf32>
            %get3A_44 = arith.index_cast %scan3A_28 : i32 to index
            %get3A_45 = arith.index_cast %mul3A_40 : i32 to index
            %get3A_46 = tpu.vector_load %arg7[%get3A_44, %get3A_45] {strides = array<i32>} : memref<32x768xf32, #tpu.memory_space<vmem>>, vector<1x16xf32>,
            %get3A_47 = vector.shape_cast %get3A_46 : vector<1x16xf32> to vector<16xf32>
            %add3A_48 = arith.addf %get3A_43, %get3A_47 : vector<16xf32>
            %swap3A = arith.index_cast %scan3A_28 : i32 to index
            %swap3A_49 = arith.index_cast %mul3A_40 : i32 to index
            %swap3A_50 = tpu.vector_load %arg8[%swap3A, %swap3A_49] {strides = array<i32>} : memref<32x768xf32, #tpu.memory_space<vmem>>, vector<1x16xf32>,
            %swap3A_51 = vector.shape_cast %swap3A_50 : vector<1x16xf32> to vector<16xf32>
            %swap3A_52 = vector.shape_cast %add3A_48 : vector<16xf32> to vector<1x16xf32>
            tpu.vector_store %arg8[%swap3A, %swap3A_49], %swap3A_52 {strides = array<i32>} : memref<32x768xf32, #tpu.memory_space<vmem>>, vector<1x16xf32>,
            %mul3A_53 = arith.constant 4 : i32
            %mul3A_54 = arith.muli %scan3A_34, %mul3A_53 : i32
            %add3A_55 = arith.constant 1 : i32
            %add3A_56 = arith.addi %mul3A_54, %add3A_55 : i32
            %mul3A_57 = arith.constant 16 : i32
            %mul3A_58 = arith.muli %add3A_56, %mul3A_57 : i32
            %get3A_59 = arith.index_cast %scan3A_28 : i32 to index
            %get3A_60 = arith.index_cast %mul3A_58 : i32 to index
            %get3A_61 = tpu.vector_load %arg8[%get3A_59, %get3A_60] {strides = array<i32>} : memref<32x768xf32, #tpu.memory_space<vmem>>, vector<1x16xf32>,
            %get3A_62 = vector.shape_cast %get3A_61 : vector<1x16xf32> to vector<16xf32>
            %get3A_63 = arith.index_cast %scan3A_28 : i32 to index
            %get3A_64 = arith.index_cast %mul3A_58 : i32 to index
            %get3A_65 = tpu.vector_load %arg7[%get3A_63, %get3A_64] {strides = array<i32>} : memref<32x768xf32, #tpu.memory_space<vmem>>, vector<1x16xf32>,
            %get3A_66 = vector.shape_cast %get3A_65 : vector<1x16xf32> to vector<16xf32>
            %add3A_67 = arith.addf %get3A_62, %get3A_66 : vector<16xf32>
            %swap3A_68 = arith.index_cast %scan3A_28 : i32 to index
            %swap3A_69 = arith.index_cast %mul3A_58 : i32 to index
            %swap3A_70 = tpu.vector_load %arg8[%swap3A_68, %swap3A_69] {strides = array<i32>} : memref<32x768xf32, #tpu.memory_space<vmem>>, vector<1x16xf32>,
            %swap3A_71 = vector.shape_cast %swap3A_70 : vector<1x16xf32> to vector<16xf32>
            %swap3A_72 = vector.shape_cast %add3A_67 : vector<16xf32> to vector<1x16xf32>
            tpu.vector_store %arg8[%swap3A_68, %swap3A_69], %swap3A_72 {strides = array<i32>} : memref<32x768xf32, #tpu.memory_space<vmem>>, vector<1x16xf32>,
            %mul3A_73 = arith.constant 4 : i32
            %mul3A_74 = arith.muli %scan3A_34, %mul3A_73 : i32
            %add3A_75 = arith.constant 2 : i32
            %add3A_76 = arith.addi %mul3A_74, %add3A_75 : i32
            %mul3A_77 = arith.constant 16 : i32
            %mul3A_78 = arith.muli %add3A_76, %mul3A_77 : i32
            %get3A_79 = arith.index_cast %scan3A_28 : i32 to index
            %get3A_80 = arith.index_cast %mul3A_78 : i32 to index
            %get3A_81 = tpu.vector_load %arg8[%get3A_79, %get3A_80] {strides = array<i32>} : memref<32x768xf32, #tpu.memory_space<vmem>>, vector<1x16xf32>,
            %get3A_82 = vector.shape_cast %get3A_81 : vector<1x16xf32> to vector<16xf32>
            %get3A_83 = arith.index_cast %scan3A_28 : i32 to index
            %get3A_84 = arith.index_cast %mul3A_78 : i32 to index
            %get3A_85 = tpu.vector_load %arg7[%get3A_83, %get3A_84] {strides = array<i32>} : memref<32x768xf32, #tpu.memory_space<vmem>>, vector<1x16xf32>,
            %get3A_86 = vector.shape_cast %get3A_85 : vector<1x16xf32> to vector<16xf32>
            %add3A_87 = arith.addf %get3A_82, %get3A_86 : vector<16xf32>
            %swap3A_88 = arith.index_cast %scan3A_28 : i32 to index
            %swap3A_89 = arith.index_cast %mul3A_78 : i32 to index
            %swap3A_90 = tpu.vector_load %arg8[%swap3A_88, %swap3A_89] {strides = array<i32>} : memref<32x768xf32, #tpu.memory_space<vmem>>, vector<1x16xf32>,
            %swap3A_91 = vector.shape_cast %swap3A_90 : vector<1x16xf32> to vector<16xf32>
            %swap3A_92 = vector.shape_cast %add3A_87 : vector<16xf32> to vector<1x16xf32>
            tpu.vector_store %arg8[%swap3A_88, %swap3A_89], %swap3A_92 {strides = array<i32>} : memref<32x768xf32, #tpu.memory_space<vmem>>, vector<1x16xf32>,
            %mul3A_93 = arith.constant 4 : i32
            %mul3A_94 = arith.muli %scan3A_34, %mul3A_93 : i32
            %add3A_95 = arith.constant 3 : i32
            %add3A_96 = arith.addi %mul3A_94, %add3A_95 : i32
            %mul3A_97 = arith.constant 16 : i32
            %mul3A_98 = arith.muli %add3A_96, %mul3A_97 : i32
            %get3A_99 = arith.index_cast %scan3A_28 : i32 to index
            %get3A_100 = arith.index_cast %mul3A_98 : i32 to index
            %get3A_101 = tpu.vector_load %arg8[%get3A_99, %get3A_100] {strides = array<i32>} : memref<32x768xf32, #tpu.memory_space<vmem>>, vector<1x16xf32>,
            %get3A_102 = vector.shape_cast %get3A_101 : vector<1x16xf32> to vector<16xf32>
            %get3A_103 = arith.index_cast %scan3A_28 : i32 to index
            %get3A_104 = arith.index_cast %mul3A_98 : i32 to index
            %get3A_105 = tpu.vector_load %arg7[%get3A_103, %get3A_104] {strides = array<i32>} : memref<32x768xf32, #tpu.memory_space<vmem>>, vector<1x16xf32>,
            %get3A_106 = vector.shape_cast %get3A_105 : vector<1x16xf32> to vector<16xf32>
            %add3A_107 = arith.addf %get3A_102, %get3A_106 : vector<16xf32>
            %swap3A_108 = arith.index_cast %scan3A_28 : i32 to index
            %swap3A_109 = arith.index_cast %mul3A_98 : i32 to index
            %swap3A_110 = tpu.vector_load %arg8[%swap3A_108, %swap3A_109] {strides = array<i32>} : memref<32x768xf32, #tpu.memory_space<vmem>>, vector<1x16xf32>,
            %swap3A_111 = vector.shape_cast %swap3A_110 : vector<1x16xf32> to vector<16xf32>
            %swap3A_112 = vector.shape_cast %add3A_107 : vector<16xf32> to vector<1x16xf32>
            tpu.vector_store %arg8[%swap3A_108, %swap3A_109], %swap3A_112 {strides = array<i32>} : memref<32x768xf32, #tpu.memory_space<vmem>>, vector<1x16xf32>,
          }
          %scan3A_33 = arith.constant 12 : i32
        }
        %scan3A_27 = arith.constant 32 : i32
        "tpu.region"() ({
          %run_scoped3A = tpu.sem_alloc : memref<!tpu.dma_semaphore, #tpu.memory_space<semaphore_mem>>
          %dma_start3A_28 = arith.constant 0 : i32
          %dma_start3A_29 = tpu.memref_slice %arg5[%scan3A_21, %add3A_11, %dma_start3A_28] : memref<4x8192x768xf32, #tpu.memory_space<hbm>> -> memref<1x32x768xf32, #tpu.memory_space<hbm>>
          %dma_start3A_30 = tpu.memref_squeeze %dma_start3A_29 : memref<1x32x768xf32, #tpu.memory_space<hbm>> -> memref<32x768xf32, #tpu.memory_space<hbm>>
          %dma_start3A_31 = arith.constant 0 : i32
          %dma_start3A_32 = tpu.memref_slice %arg5[%scan3A_21, %add3A_11, %dma_start3A_31] : memref<4x8192x768xf32, #tpu.memory_space<hbm>> -> memref<1x32x768xf32, #tpu.memory_space<hbm>>
          %dma_start3A_33 = tpu.memref_squeeze %dma_start3A_32 : memref<1x32x768xf32, #tpu.memory_space<hbm>> -> memref<32x768xf32, #tpu.memory_space<hbm>>
          tpu.enqueue_dma source(%arg8 : memref<32x768xf32, #tpu.memory_space<vmem>>) target(%dma_start3A_33 : memref<32x768xf32, #tpu.memory_space<hbm>>) target_semaphore(%run_scoped3A : memref<!tpu.dma_semaphore, #tpu.memory_space<semaphore_mem>>)
          %dma_wait3A_34 = arith.constant 0 : i32
          %dma_wait3A_35 = tpu.memref_slice %arg5[%scan3A_21, %add3A_11, %dma_wait3A_34] : memref<4x8192x768xf32, #tpu.memory_space<hbm>> -> memref<1x32x768xf32, #tpu.memory_space<hbm>>
          %dma_wait3A_36 = tpu.memref_squeeze %dma_wait3A_35 : memref<1x32x768xf32, #tpu.memory_space<hbm>> -> memref<32x768xf32, #tpu.memory_space<hbm>>
          %dma_wait3A_37 = arith.constant 0 : i32
          %dma_wait3A_38 = tpu.memref_slice %arg5[%scan3A_21, %add3A_11, %dma_wait3A_37] : memref<4x8192x768xf32, #tpu.memory_space<hbm>> -> memref<1x32x768xf32, #tpu.memory_space<hbm>>
          %dma_wait3A_39 = tpu.memref_squeeze %dma_wait3A_38 : memref<1x32x768xf32, #tpu.memory_space<hbm>> -> memref<32x768xf32, #tpu.memory_space<hbm>>
          tpu.wait_dma2 semaphore(%run_scoped3A : memref<!tpu.dma_semaphore, #tpu.memory_space<semaphore_mem>>) src(%arg8 : memref<32x768xf32, #tpu.memory_space<vmem>>) dst(%dma_wait3A_39 : memref<32x768xf32, #tpu.memory_space<hbm>>)
          tpu.yield
        }) : () -> ()
      }
      %scan3A_20 = arith.constant 4 : i32
    }
    %scan3A_7 = arith.constant 8 : i32
    return
  }
}

</mosaic_0001>

<sc_bundles>
// kernel: kernel.3.cloned.1.call-start
scs
__scs_entry_jumppad:
0x0: {  	(pc) =	sbr.rel $0x88, $3  }
0x1: {  	(tag) =	ssettag $0x0;
	lr =	simm.s32 $0x1  }
0x2: {  	[smem:$0x3F9E] =	sst lr;
	_ =	strace $0xD0000000  }
0x3: {  	_ = 	snop  }
0x4: {  	_ = 	snop  }
0x5: {  	_ = 	snop  }
0x6: {  	_ = 	snop  }
0x7: {  	_ = 	snop  }
__scs_overlays_trampoline_lowered:
0x8: {  	[smem:$0x3FAD] =	sst s0  }
0x9: {  	[smem:$0x3FAE] =	sst s1  }
0xa: {  	[smem:$0x3FAF] =	sst s2  }
0xb: {  	[smem:$0x3FB0] =	sst s3  }
0xc: {  	[smem:$0x3FB1] =	sst s4  }
0xd: {  	[smem:$0x3FB2] =	sst s5  }
0xe: {  	[smem:$0x3FB3] =	sst s6  }
0xf: {  	[smem:$0x3FB4] =	sst s7  }
0x10: {  	[smem:$0x3FB5] =	sst s8  }
0x11: {  	[smem:$0x3FB6] =	sst s9;
	s0 =	simm.s32 @!p0 $0x0  }
0x12: {  	s1 =	sld [smem:$0x3F9C];
	s0 =	simm.s32 @p0 $0x1  }
0x13: {  	[smem:$0x3FB7] =	sst s0;
	s0 =	simm.s32 @!p1 $0x0  }
0x14: {  	s2 =	sld [smem:$0x3F9B];
	s0 =	simm.s32 @p1 $0x1  }
0x15: {  	[smem:$0x3FB8] =	sst s0;
	s0 =	simm.s32 @!p2 $0x0  }
0x16: {  	s3 =	sld [smem:$0x3FDB];
	s0 =	simm.s32 @p2 $0x1  }
0x17: {  	s4 =	simm.s32 $0x1BF5;
	[smem:$0x3FBA] =	sst s0  }
0x18: {  	s0 =	sld [smem:$0x3F9D];
	_ =	swait.ge [sflag:s4], $0x0  }
0x19: {  	s7 =	sld [smem:$0x3F9E]  }
0x1a: {  	s8 =	sadd.s32 $0xFFFFE003, lr  }
0x1b: {  	s9 =	sadd.s32 $0xFFFFFEF7, lr;
	s5 =	simm.s32 $0xFFFFFFFF;
	p2 =	slt.u32 s8, $0xFFFFF086  }
0x1c: {  	p1 =	slt.u32 s9, $0xF7A;
	s5 =	simm.s32 @!p2 $0x0  }
0x1d: {  	s5 =	simm.s32 @p1 $0x1;
	p0 =	seq.s32 s7, s2  }
0x1e: {  	s7 =	smul.u32 @!p0 $0xF7A, s2;
	p2 =	seq.s32 @!p0 s5, $0x0  }
0x1f: {  	s9 =	smul.u32 $0xF7A, s1;
	s8 =	simm.s32 @!p0 $0x1BF5;
	p2 =	por !p2, p0  }
0x20: {  	[sflag:s8] =	ssyncset.s32 @!p0 $0xFFFFF086;
	s6 =	sadd.s32 @!p0 s3, s7;
	s7 =	simm.s32 @!p0 $0x108  }
0x21: {  	s3 =	sadd.s32 s3, s9;
	s6 =	sadd.s32 @!p0 $0x88, s6;
	s7 =	simm.s32 @p2 $0x1082  }
0x22: {  	[simem:s7], [sflag:s8] =	dma.local @!p0 [hbm:s6], $0xF7A  }
0x23: {  	s9 =	sor.u32 $0xD0000000, s2;
	s6 =	simm.s32 $0x108;
	_ =	swait.ge @!p0 [sflag:s8], $0x0  }
0x24: {  	s3 =	sadd.s32 $0x88, s3;
	s6 =	simm.s32 @!p1 $0x1082;
	[sflag:s4] =	ssyncset.s32 $0xFFFFF086  }
0x25: {  	[simem:s6], [sflag:s4] =	dma.local [hbm:s3], $0xF7A  }
0x26: {  	[smem:$0x3F9E] =	sst s1;
	(tag) =	ssettag s2;
	_ =	strace s9  }
0x27: {  	s1 =	sld [smem:$0x3FAE]  }
0x28: {  	s2 =	sld [smem:$0x3FAF]  }
0x29: {  	s4 =	sld [smem:$0x3FB1]  }
0x2a: {  	p0 =	seq.s32 s5, $0x0;
	s5 =	sld [smem:$0x3FB2]  }
0x2b: {  	s6 =	sld [smem:$0x3FB3]  }
0x2c: {  	s7 =	sld [smem:$0x3FB4]  }
0x2d: {  	s3 =	simm.s32 $0x108;
	s8 =	sld [smem:$0x3FB5]  }
0x2e: {  	s3 =	simm.s32 @!p0 $0x1082;
	s9 =	sld [smem:$0x3FB6]  }
0x2f: {  	lr =	sadd.s32 s0, s3;
	s0 =	sld [smem:$0x3FAD]  }
0x30: {  	s3 =	sld [smem:$0x3FB0]  }
0x31: {  	[smem:$0x3FB9] =	sst s10  }
0x32: {  	s10 =	sld [smem:$0x3FB7];
	_ =	sdelay $0x3  }
0x33: {  	p0 =	seq.s32 s10, $0x1;
	s10 =	sld [smem:$0x3FB9];
	_ =	sdelay $0x3  }
0x34: {  	[smem:$0x3FB9] =	sst s10  }
0x35: {  	s10 =	sld [smem:$0x3FB8];
	_ =	sdelay $0x3  }
0x36: {  	p1 =	seq.s32 s10, $0x1;
	s10 =	sld [smem:$0x3FB9];
	_ =	sdelay $0x3  }
0x37: {  	[smem:$0x3FB9] =	sst s10  }
0x38: {  	s10 =	sld [smem:$0x3FBA]  }
0x39: {  	_ = 	snop;
	(pc) =	sbr.ind lr, $3  }
0x3a: {  	_ = 	snop  }
0x3b: {  	_ = 	snop  }
0x3c: {  	p2 =	seq.s32 s10, $0x1;
	s10 =	sld [smem:$0x3FB9]  }
0x3d: {  	_ =	shalt  }
0x3e: {  	_ =	shalt  }
0x3f: {  	_ =	shalt  }
0x40: {  	_ =	shalt  }
0x41: {  	_ =	shalt  }
0x42: {  	_ =	shalt  }
0x43: {  	_ =	shalt  }
0x44: {  	_ =	shalt  }
0x45: {  	_ =	shalt  }
0x46: {  	_ =	shalt  }
0x47: {  	_ =	shalt  }
0x48: {  	_ =	shalt  }
0x49: {  	_ =	shalt  }
0x4a: {  	_ =	shalt  }
0x4b: {  	_ =	shalt  }
0x4c: {  	_ =	shalt  }
0x4d: {  	_ =	shalt  }
0x4e: {  	_ =	shalt  }
0x4f: {  	_ =	shalt  }
0x50: {  	_ =	shalt  }
0x51: {  	_ =	shalt  }
0x52: {  	_ =	shalt  }
0x53: {  	_ =	shalt  }
0x54: {  	_ =	shalt  }
0x55: {  	_ =	shalt  }
0x56: {  	_ =	shalt  }
0x57: {  	_ =	shalt  }
0x58: {  	_ =	shalt  }
0x59: {  	_ =	shalt  }
0x5a: {  	_ =	shalt  }
0x5b: {  	_ =	shalt  }
0x5c: {  	_ =	shalt  }
0x5d: {  	_ =	shalt  }
0x5e: {  	_ =	shalt  }
0x5f: {  	_ =	shalt  }
0x60: {  	_ =	shalt  }
0x61: {  	_ =	shalt  }
0x62: {  	_ =	shalt  }
0x63: {  	_ =	shalt  }
0x64: {  	_ =	shalt  }
0x65: {  	_ =	shalt  }
0x66: {  	_ =	shalt  }
0x67: {  	_ =	shalt  }
0x68: {  	_ =	shalt  }
0x69: {  	_ =	shalt  }
0x6a: {  	_ =	shalt  }
0x6b: {  	_ =	shalt  }
0x6c: {  	_ =	shalt  }
0x6d: {  	_ =	shalt  }
0x6e: {  	_ =	shalt  }
0x6f: {  	_ =	shalt  }
0x70: {  	_ =	shalt  }
0x71: {  	_ =	shalt  }
0x72: {  	_ =	shalt  }
0x73: {  	_ =	shalt  }
0x74: {  	_ =	shalt  }
0x75: {  	_ =	shalt  }
0x76: {  	_ =	shalt  }
0x77: {  	_ =	shalt  }
0x78: {  	_ =	shalt  }
0x79: {  	_ =	shalt  }
0x7a: {  	_ =	shalt  }
0x7b: {  	_ =	shalt  }
0x7c: {  	_ =	shalt  }
0x7d: {  	_ =	shalt  }
0x7e: {  	_ =	shalt  }
0x7f: {  	_ =	shalt  }
0x80: {  	_ =	shalt  }
0x81: {  	_ =	shalt  }
0x82: {  	_ =	shalt  }
0x83: {  	_ =	shalt  }
0x84: {  	_ =	shalt  }
0x85: {  	_ =	shalt  }
0x86: {  	_ =	shalt  }
0x87: {  	_ =	shalt  }
.Lfunc_end0:
.L_simem_size_0:
called_computation_lowered:
.L_overlay_start_0:
0x88: {  	s2 =	sld [smem:$0x3FD9]  }
0x89: {  	s3 =	sld [smem:$0x3FFE];
	_ =	sdelay $0x1  }
0x8a: {  	s1 =	srdreg.scid  }
0x8b: {  	s0 =	sand.u32 $0x1, s1  }
0x8c: {  	s18 =	sshll.u32 s0, $0xA;
	s2 =	sadd.s32 s3, s2  }
0x8d: {  	s2 =	sadd.s32 s2, s18  }
0x8e: {  	[smem:$0x3FC5] =	sst s2  }
0x8f: {  	_ = 	snop  }
0x90: {  	s2 =	sld [smem:$0x3FC9]  }
0x91: {  	s19 =	sld [smem:$0x3FC8]  }
0x92: {  	s4 =	sld [smem:$0x3FC7]  }
0x93: {  	s5 =	sld [smem:$0x3FD0];
	(tm) =	ssettm $0x1  }
0x94: {  	s6 =	sld [smem:$0x3FFB];
	_ =	sdelay $0x3  }
0x95: {  	_ =	strace s6  }
0x96: {  	s6 =	sld [smem:$0x3FFC];
	_ =	sdelay $0x3  }
0x97: {  	_ =	strace s6  }
0x98: {  	s6 =	sld [smem:$0x3FFD];
	_ =	sdelay $0x3  }
0x99: {  	_ =	strace s6  }
0x9a: {  	_ =	strace $0x8FFFFFFF  }
0x9b: {  	s20 =	sld [smem:$0x3FDB];
	_ =	sdelay $0x1  }
0x9c: {  	s7 =	simm.s32 $_scs_section_size  }
0x9d: {  	s8 =	simm.s32 $_size__tile_overlayer_lowered;
	s9 =	simm.s32 $_tile_overlayer_lowered  }
0x9e: {  	s23 =	simm.s32 $0x1BFF;
	s22 =	sshll.u32 s9, $0x1;
	s6 =	sadd.s32 s7, s20  }
0x9f: {  	s10 =	simm.s32 $0x0;
	s21 =	sshll.u32 s8, $0x1;
	s8 =	sadd.s32 s22, s6  }
0xa0: {  	[timem:s10], [sflag:s23] =	dma.local [hbm:s8], s21  }
0xa1: {  	_ =	swait.ge [sflag:s23], s21  }
0xa2: {  	s7 =	ssub.s32 $0x0, s21;
	[sflag:s23] =	ssyncset.done $0x0  }
0xa3: {  	[sflag:s23] =	ssyncadd.s32 s7;
	_ =	sdelay $0x1  }
0xa4: {  	s24 =	simm.s32 $0x1B8B  }
0xa5: {  	_ =	swait.ge [sflag:s24], $0x1  }
0xa6: {  	[sflag:s24] =	ssyncset.done $0x0  }
0xa7: {  	s25 =	simm.s32 $0x1B8E;
	[sflag:s24] =	ssyncadd.s32 $0xFFFFFFFF  }
0xa8: {  	s26 =	simm.s32 $execute0_lowered;
	[smem:$0x3FD2] =	sst s25  }
0xa9: {  	s7 =	sshll.u32 s26, $0x1;
	_ =	strace $0x80000046;
	[dreg:$0x1] =	wrdreg $0xFFFFFFFF  }
0xaa: {  	s28 =	simm.s32 $_size_execute0_lowered;
	s6 =	sadd.s32 s6, s7;
	[dreg:$0x0] =	wrdreg $0x0  }
0xab: {  	s7 =	sshll.u32 s28, $0x1;
	[dreg:$0x2] =	wrdreg s6  }
0xac: {  	[dreg:$0x3] =	wrdreg s7  }
0xad: {  	[dreg:$0x4] =	wrdreg $0xC0  }
0xae: {  	_ =	task [dreg:s10], $0x5FFFF  }
0xaf: {  	[dreg:$0x1] =	wrdreg $0xFFFFFFFF  }
0xb0: {  	[dreg:$0x0] =	wrdreg $0x60  }
0xb1: {  	[dreg:$0x2] =	wrdreg s2  }
0xb2: {  	[dreg:$0x3] =	wrdreg s19  }
0xb3: {  	[dreg:$0x4] =	wrdreg s4  }
0xb4: {  	[dreg:$0x5] =	wrdreg s5  }
0xb5: {  	[dreg:$0x6] =	wrdreg $0x9  }
0xb6: {  	_ =	task.clear_ibuf [dreg:s10], $0x7FFFF;
	_ =	strace $0x90000046  }
0xb7: {  	s29 =	simm.s32 $0x9;
	_ =	strace $0x80000048  }
0xb8: {  	_ =	swait.ge [sflag:s29], $0x1  }
0xb9: {  	[sflag:s29] =	ssyncadd.s32 $0xFFFFFFFF  }
0xba: {  	_ =	strace $0x90000048  }
0xbb: {  	_ =	sfence  }
0xbc: {  	s30 =	sld [smem:$0x0];
	_ =	sdelay $0x2  }
0xbd: {  	s31 =	sshll.u32 s1, $0xD;
	s1 =	sshrl.u32 s1, $0x2  }
0xbe: {  	s3 =	sand.u32 $0x4000, s31;
	s1 =	sadd.s32 s1, s30  }
0xbf: {  	s0 =	sor.u32 s3, s0;
	s1 =	sshll.u32 s1, $0x11  }
0xc0: {  	s0 =	sor.u32 s1, s0  }
0xc1: {  	s0 =	sadd.s32 $0x8F2B, s0  }
0xc2: {  	[sflag:s0] =	ssyncadd.remote.s32 $0x1  }
0xc3: {  	_ =	sfence.sel $0xFFFF  }
0xc4: {  	[dreg:$0x0] =	wrdreg $0xFFFFFFFF;
	(pc) =	sbr.abs _section_cstart, $3  }
0xc5: {  	[dreg:$0x1] =	wrdreg $0xFFFFFFFF  }
0xc6: {  	_ =	task.clear_ibuf [dreg:s10], $0x2FFFF;
	_ =	strace $0x9FFFFFFF  }
0xc7: {  	(tm) =	ssettm $0x7FFFFFFF  }
tec
execute0_lowered:
.L_overlay_start_1:
0x0: {  	(tag) =	ssettag $0x1  }
0x1: {  	s1 =	rddreg [dreg:$0x0]  }
0x2: {  	s3 =	rddreg [dreg:$0x2]  }
0x3: {  	s4 =	rddreg [dreg:$0x3];
	s5 =	simm.s32 $0x0;
	s0 =	srdreg.scid  }
0x4: {  	s7 =	stileid.u32;
	s11 =	simm.s32 $0x2;
	s22 =	simm.s32 $0x5080  }
0x5: {  	s23 =	simm.s32 $0x5880;
	s24 =	simm.s32 $0x1;
	s0 =	sand.u32 $0x1, s0  }
0x6: {  	s25 =	simm.s32 $0x6080;
	s29 =	simm.s32 $0x0;
	s2 =	ssub.s32 $0x2, s0  }
0x7: {  	[smem:$0x7FF] =	sst s5;
	s7 =	sshll.u32 s7, $0x6;
	s6 =	sshrl.u32 s2, $0x1  }
0x8: {  	v2 =	vlaneseq.u32;
	s8 =	sadd.s32 $0x100, s3;
	s9 =	sadd.s32 $0x200, s3;
	s2 =	ssub.s32 s2, s6  }
0x9: {  	vm0 =	vmmov $0xffff;
	v1 =	vshrl.u32 v2, $0x3;
	_ =	strace $0x80000047;
	s0 =	sshll.u32 s0, $0x5;
	s31 =	smax.u32 s2, $0x1  }
0xa: {  	v0 =	vand.u32 $0x7, v2;
	v2 =	vor.u32 $0x8, v2;
	v1 =	vmul.u32 $0x8, v1;
	s7 =	sor.u32 s0, s7;
	s2 =	simm.s32 $0x0;
	[dreg:$0x5] =	wrdreg s31  }
.LBB2_1:
0xb: {  	[dreg:$0x6] =	wrdreg s2;
	s28 =	simm.s32 $0x0  }
.LBB2_2:
0xc: {  	s0 =	sshll.u32 s28, $0x2  }
0xd: {  	s2 =	rddreg [dreg:$0x1];
	s0 =	sadd.s32 s7, s0  }
0xe: {  	s2 =	sadd.s32 s2, s0  }
0xf: {  	[tilespmem:s29], [sflag:$0x2] =	stream.linear.gather [hbm4b:s2+s29], $0x20, $0x38;
	[tilespmem:$0xC080] =	vst v63  }
0x10: {  	_ =	swait.ge [sflag:s11], $0x20  }
0x11: {  	[sflag:s11] =	ssyncset.done $0x0  }
0x12: {  	[sflag:s11] =	ssyncadd.s32 $0xFFFFFFE0  }
0x13: {  	v3 =	vld [tilespmem:$0x0];
	_ =	sdelay $0x4  }
0x14: {  	v4 =	vshrl.u32 v3, $0x3  }
0x15: {  	v4 =	vmul.u32 $0x30, v4  }
0x16: {  	v3 =	vand.u32 $0x7, v3  }
0x17: {  	v3 =	vor.u32 v3, v4  }
0x18: {  	v4 =	vperm.xlane v3, v0;
	_ =	sdelay $0x1  }
0x19: {  	v4 =	vadd.s32 v1, v4;
	_ =	sdelay $0x3  }
0x1a: {  	s13 =	simm.s32 $0x80;
	v3 =	vperm.xlane v3, v2  }
0x1b: {  	[tilespmem:s13], [sflag:$0x1] =	stream.indirect_vreg.gather [hbm4b:s3+s29], $0x80, v4, vm0, $0xb8;
	[tilespmem:$0xC080] =	vst v63  }
0x1c: {  	s14 =	simm.s32 $0x880;
	v3 =	vadd.s32 v1, v3  }
0x1d: {  	[tilespmem:s14], [sflag:$0x1] =	stream.indirect_vreg.gather [hbm4b:s8+s29], $0x80, v4, vm0, $0xb8;
	[tilespmem:$0xC080] =	vst v63  }
0x1e: {  	s15 =	simm.s32 $0x1080  }
0x1f: {  	[tilespmem:s15], [sflag:$0x1] =	stream.indirect_vreg.gather [hbm4b:s9+s29], $0x80, v4, vm0, $0xb8;
	[tilespmem:$0xC080] =	vst v63  }
0x20: {  	s16 =	simm.s32 $0x1880  }
0x21: {  	[tilespmem:s16], [sflag:$0x1] =	stream.indirect_vreg.gather [hbm4b:s3+s29], $0x80, v3, vm0, $0xb8;
	[tilespmem:$0xC080] =	vst v63  }
0x22: {  	s17 =	simm.s32 $0x2080  }
0x23: {  	[tilespmem:s17], [sflag:$0x1] =	stream.indirect_vreg.gather [hbm4b:s8+s29], $0x80, v3, vm0, $0xb8;
	[tilespmem:$0xC080] =	vst v63  }
0x24: {  	s18 =	simm.s32 $0x2880  }
0x25: {  	[tilespmem:s18], [sflag:$0x1] =	stream.indirect_vreg.gather [hbm4b:s9+s29], $0x80, v3, vm0, $0xb8;
	[tilespmem:$0xC080] =	vst v63  }
0x26: {  	v3 =	vld [tilespmem:$0x10];
	_ =	sdelay $0x4  }
0x27: {  	v63 =	vshrl.u32 v3, $0x3  }
0x28: {  	v4 =	vmul.u32 $0x30, v63  }
0x29: {  	v3 =	vand.u32 $0x7, v3  }
0x2a: {  	v3 =	vor.u32 v3, v4  }
0x2b: {  	v4 =	vperm.xlane v3, v0;
	_ =	sdelay $0x1  }
0x2c: {  	v4 =	vadd.s32 v1, v4;
	_ =	sdelay $0x3  }
0x2d: {  	s19 =	simm.s32 $0x3080;
	v3 =	vperm.xlane v3, v2  }
0x2e: {  	[tilespmem:s19], [sflag:$0x1] =	stream.indirect_vreg.gather [hbm4b:s3+s29], $0x80, v4, vm0, $0xb8;
	[tilespmem:$0xC080] =	vst v63  }
0x2f: {  	s20 =	simm.s32 $0x3880;
	v3 =	vadd.s32 v1, v3  }
0x30: {  	[tilespmem:s20], [sflag:$0x1] =	stream.indirect_vreg.gather [hbm4b:s8+s29], $0x80, v4, vm0, $0xb8;
	[tilespmem:$0xC080] =	vst v63  }
0x31: {  	s21 =	simm.s32 $0x4080  }
0x32: {  	[tilespmem:s21], [sflag:$0x1] =	stream.indirect_vreg.gather [hbm4b:s9+s29], $0x80, v4, vm0, $0xb8;
	[tilespmem:$0xC080] =	vst v63  }
0x33: {  	s26 =	simm.s32 $0x4880  }
0x34: {  	[tilespmem:s26], [sflag:$0x1] =	stream.indirect_vreg.gather [hbm4b:s3+s29], $0x80, v3, vm0, $0xb8;
	[tilespmem:$0xC080] =	vst v63  }
0x35: {  	_ = 	snop  }
0x36: {  	[tilespmem:s22], [sflag:$0x1] =	stream.indirect_vreg.gather [hbm4b:s8+s29], $0x80, v3, vm0, $0xb8;
	[tilespmem:$0xC080] =	vst v63  }
0x37: {  	_ = 	snop  }
0x38: {  	[tilespmem:s23], [sflag:$0x1] =	stream.indirect_vreg.gather [hbm4b:s9+s29], $0x80, v3, vm0, $0xb8;
	[tilespmem:$0xC080] =	vst v63  }
0x39: {  	_ =	swait.ge [sflag:s24], $0x6000  }
0x3a: {  	[sflag:s24] =	ssyncset.done $0x0  }
0x3b: {  	s31 =	simm.s32 $0x0;
	s30 =	smul.u32 $0x1800, s0;
	[sflag:s24] =	ssyncadd.s32 $0xFFFFA000  }
.LBB2_3:
0x3c: {  	s0 =	smul.u32 $0x600000, s31;
	_ =	sdelay $0x1  }
0x3d: {  	s0 =	sadd.s32 s30, s0  }
0x3e: {  	s0 =	sshrl.u32 s0, $0x3  }
0x3f: {  	s2 =	sadd.s32 s1, s0  }
0x40: {  	[tilespmem:s25], [sflag:$0x2] =	stream.linear.gather [hbm4b:s2+s29], $0x6000, $0x38;
	[tilespmem:$0xC080] =	vst v63  }
0x41: {  	_ =	swait.ge [sflag:s11], $0x6000  }
0x42: {  	[sflag:s11] =	ssyncset.done $0x0  }
0x43: {  	s6 =	simm.s32 $0x0;
	[sflag:s11] =	ssyncadd.s32 $0xFFFFA000  }
.LBB2_4:
0x44: {  	s2 =	sshrl.u32 s6, $0x3  }
0x45: {  	s20 =	sshll.u32 s6, $0x7;
	s26 =	simm.s32 $0x0;
	s10 =	smul.u32 $0x1800, s2  }
0x46: {  	s2 =	sand.u32 $0x380, s20;
	s15 =	sand.u32 $0x40, s26;
	s12 =	sand.u32 $0x1C00, s26  }
0x47: {  	s21 =	sor.u32 s2, s15;
	s16 =	sadd.s32 s10, s12  }
0x48: {  	s13 =	sor.u32 s16, s21  }
0x49: {  	v3 =	vld [tilespmem:s13+$0x6080]  }
0x4a: {  	v4 =	vld [tilespmem:s13+$0x80];
	_ =	sdelay $0x4  }
0x4b: {  	s12 =	sor.u32 $0x10, s2;
	v3 =	vadd.f32 v4, v3  }
0x4c: {  	s14 =	sor.u32 s12, s15  }
0x4d: {  	s14 =	sor.u32 s16, s14;
	[tilespmem:s13+$0x6080] =	vst v3  }
0x4e: {  	v3 =	vld [tilespmem:s14+$0x6080]  }
0x4f: {  	v4 =	vld [tilespmem:s14+$0x80];
	_ =	sdelay $0x4  }
0x50: {  	s13 =	sor.u32 $0x20, s2;
	v3 =	vadd.f32 v4, v3  }
0x51: {  	s17 =	sor.u32 s13, s15  }
0x52: {  	s17 =	sor.u32 s16, s17;
	[tilespmem:s14+$0x6080] =	vst v3  }
0x53: {  	v3 =	vld [tilespmem:s17+$0x6080]  }
0x54: {  	v4 =	vld [tilespmem:s17+$0x80];
	_ =	sdelay $0x4  }
0x55: {  	s14 =	sor.u32 $0x30, s2;
	v3 =	vadd.f32 v4, v3  }
0x56: {  	s15 =	sor.u32 s14, s15  }
0x57: {  	s16 =	sor.u32 s16, s15;
	[tilespmem:s17+$0x6080] =	vst v3  }
0x58: {  	v3 =	vld [tilespmem:s16+$0x6080]  }
0x59: {  	s15 =	simm.s32 $0x40;
	v4 =	vld [tilespmem:s16+$0x80]  }
.LBB2_5:
0x5a: {  	_ = 	snop  }
0x5b: {  	p0 =	sne.s32 s15, $0x2C0  }
0x5c: {  	s26 =	sadd.s32 $0x200, s26;
	s17 =	smov.u32 s15;
	s15 =	sadd.s32 $0x40, s15  }
0x5d: {  	_ = 	snop  }
0x5e: {  	s17 =	sand.u32 $0x40, s17;
	s18 =	sand.u32 $0x1C00, s26;
	v3 =	vadd.f32 v4, v3  }
0x5f: {  	s18 =	sadd.s32 s10, s18;
	s19 =	sor.u32 s2, s17;
	s20 =	sor.u32 s12, s17  }
0x60: {  	s21 =	sor.u32 s13, s17;
	s17 =	sor.u32 s14, s17;
	s19 =	sor.u32 s18, s19;
	[tilespmem:s16+$0x6080] =	vst v3  }
0x61: {  	v3 =	vld [tilespmem:s19+$0x6080]  }
0x62: {  	v4 =	vld [tilespmem:s19+$0x80];
	_ =	sdelay $0x4  }
0x63: {  	v3 =	vadd.f32 v4, v3;
	_ =	sdelay $0x1  }
0x64: {  	s16 =	sor.u32 s18, s20;
	[tilespmem:s19+$0x6080] =	vst v3  }
0x65: {  	v3 =	vld [tilespmem:s16+$0x6080]  }
0x66: {  	v4 =	vld [tilespmem:s16+$0x80];
	_ =	sdelay $0x4  }
0x67: {  	v3 =	vadd.f32 v4, v3;
	_ =	sdelay $0x1  }
0x68: {  	[tilespmem:s16+$0x6080] =	vst v3;
	s16 =	sor.u32 s18, s21  }
0x69: {  	v3 =	vld [tilespmem:s16+$0x6080]  }
0x6a: {  	v4 =	vld [tilespmem:s16+$0x80];
	_ =	sdelay $0x4  }
.Ltmp0:
0x6b: {  	v3 =	vadd.f32 v4, v3;
	(pc) =	sbr.rel @p0 .LBB2_5-.Ltmp0, $4  }
0x6c: {  	_ = 	snop  }
0x6d: {  	[tilespmem:s16+$0x6080] =	vst v3;
	s16 =	sor.u32 s18, s17  }
0x6e: {  	v3 =	vld [tilespmem:s16+$0x6080]  }
0x6f: {  	v4 =	vld [tilespmem:s16+$0x80]  }
0x70: {  	s6 =	sadd.s32 $0x1, s6  }
0x71: {  	p0 =	sne.s32 s6, $0x20  }
.Ltmp1:
0x72: {  	_ = 	snop;
	(pc) =	sbr.rel @p0 .LBB2_4-.Ltmp1, $3  }
0x73: {  	_ = 	snop  }
0x74: {  	v3 =	vadd.f32 v4, v3;
	_ =	sdelay $0x1  }
0x75: {  	[tilespmem:s16+$0x6080] =	vst v3  }
0x76: {  	s31 =	sadd.s32 $0x1, s31  }
0x77: {  	p0 =	sne.s32 s31, $0x4  }
.Ltmp2:
0x78: {  	s0 =	sadd.s32 s4, s0;
	(pc) =	sbr.rel @p0 .LBB2_3-.Ltmp2, $4  }
0x79: {  	[hbm4b:s0+s5] =	stream.linear.scatter [tilespmem:s25], [sflag:$0x2], $0x6000, $0x38;
	[tilespmem:$0xC080] =	vst v63  }
0x7a: {  	_ =	swait.ge [sflag:s11], $0x6000  }
0x7b: {  	[sflag:s11] =	ssyncset.done $0x0  }
0x7c: {  	[sflag:s11] =	ssyncadd.s32 $0xFFFFA000  }
0x7d: {  	s28 =	sadd.s32 $0x1, s28  }
0x7e: {  	p0 =	sne.s32 s28, $0x8  }
.Ltmp3:
0x7f: {  	_ = 	snop;
	(pc) =	sbr.rel @p0 .LBB2_2-.Ltmp3, $1  }
0x80: {  	_ =	sdelay $0x3  }
0x81: {  	s2 =	rddreg [dreg:$0x6]  }
0x82: {  	s0 =	rddreg [dreg:$0x5];
	s2 =	sadd.s32 $0x1, s2  }
0x83: {  	p0 =	sne.s32 s2, s0  }
.Ltmp4:
0x84: {  	_ = 	snop;
	(pc) =	sbr.rel @p0 .LBB2_1-.Ltmp4, $1  }
0x85: {  	_ =	sdelay $0x3  }
0x86: {  	_ =	sfence.sel $0x180000  }
0x87: {  	[bflag:$0x0] =	sbarrier.arrive $0xFFFF  }
0x88: {  	_ =	strace $0x90000047  }
0x89: {  	s0 =	stileid.u32;
	[bflag:$0x2] =	sbarrier.arrive $0xFFFF  }
0x8a: {  	p0 =	sne.s32 s0, $0x0;
	s0 =	rddreg [dreg:$0x4]  }
0x8b: {  	s0 =	sadd.s32 @!p0 $0x100000, s0  }
0x8c: {  	[sflag:s0] =	ssyncadd.tile.s32 @!p0 $0x1;
	_ =	shalt  }
.Lfunc_end2:
_tile_overlayer_lowered:
.L_overlay_start_2:
0x8d: {  	(tag) =	ssettag $0x2  }
0x8e: {  	s0 =	rddreg [dreg:$0x0];
	s2 =	stileid.u32  }
0x8f: {  	s1 =	rddreg [dreg:$0x1];
	p0 =	sne.s32 s2, $0x0  }
0x90: {  	s3 =	rddreg [dreg:$0x2];
	[bflag:$0x3] =	sbarrier.arrive $0xFFFF;
	s2 =	simm.s32 @!p0 $0x1C02  }
0x91: {  	[timem:s3], [sflag:s2] =	dma.local @!p0 [hbm:s0], s1  }
0x92: {  	s0 =	simm.s32 @!p0 $0x2  }
0x93: {  	_ =	swait.ge @!p0 [sflag:s0], s1  }
0x94: {  	s1 =	ssub.s32 @!p0 $0x0, s1;
	[sflag:s0] =	ssyncset.done @!p0 $0x0  }
0x95: {  	[sflag:s0] =	ssyncadd.s32 @!p0 s1  }
0x96: {  	[bflag:$0x3] =	sbarrier.arrive $0xFFFF  }
0x97: {  	_ =	shalt  }

</sc_bundles>
